<compile_context>
chip_gen: v7x
topology: tpu7x:2x2x1
jax: 0.10.2.dev20260603
libtpu: 0.0.44.dev20260713+nightly
codegen_flags: <defaults>
</compile_context>

<pallas_src>
import jax
import jax.numpy as jnp
from jax.experimental import pallas as pl
from jax.experimental.pallas import tpu as pltpu
from jax.experimental.pallas import tpu_sc as plsc

SIZE = 16384
DIM = 128
NN = 256
CHUNK = 2048
GRID = SIZE // CHUNK

SC_CORES = 2
SC_SUBCORES = 16
SC_WORKERS = SC_CORES * SC_SUBCORES
SLAB = SIZE // SC_WORKERS


_LOG2E = 1.4426950408889634


def _insert_body(data_hbm, nodes_hbm, newd_hbm, buf):
    c = jax.lax.axis_index("c")
    s = jax.lax.axis_index("s")
    w = s * SC_CORES + c
    base = w * SLAB
    pltpu.sync_copy(data_hbm.at[pl.ds(base, SLAB)], buf)

    @pl.when(w == 0)
    def _():
        pltpu.sync_copy(nodes_hbm, buf.at[pl.ds(0, NN)])

    pltpu.sync_copy(buf, newd_hbm.at[pl.ds(base, SLAB)])


def _body(scal_ref, node_ref, data_ref, out_ref,
          acc_ref, ssum_ref):
    i = pl.program_id(0)
    d = data_ref[...]
    n = node_ref[...]
    temp = scal_ref[0]
    lerp = 1.0 / (1.0 + jnp.exp(-scal_ref[1]))
    c = temp * (-_LOG2E)

    nm2 = n * -2.0
    g2 = jax.lax.dot_general(d, nm2, (((1,), (1,)), ((), ())),
                             preferred_element_type=jnp.float32)
    dn2 = jnp.sum(d * d, axis=1, keepdims=True)
    nn2 = jnp.sum(n * n, axis=1)[None, :]
    dsq = jnp.maximum(g2 + dn2 + nn2, 1e-12)
    s = jnp.exp2((c * dsq) * jax.lax.rsqrt(dsq))
    t = jnp.exp2(s * _LOG2E)

    part = jax.lax.dot_general(t, d, (((0,), (0,)), ((), ())),
                               preferred_element_type=jnp.float32)
    ones = jnp.ones((CHUNK, 1), jnp.float32)
    tsum = jax.lax.dot_general(t, ones, (((0,), (0,)), ((), ())),
                               preferred_element_type=jnp.float32)

    @pl.when(i == 0)
    def _():
        acc_ref[...] = part
        ssum_ref[...] = tsum

    @pl.when(i > 0)
    def _():
        acc_ref[...] += part
        ssum_ref[...] += tsum

    @pl.when(i == GRID - 1)
    def _():
        out_ref[...] = lerp * acc_ref[...] / ssum_ref[...] + (1.0 - lerp) * n


def kernel(node_fts, data, temp, fixed_lerp, counter):
    b, n_nodes, dim = node_fts.shape
    nodes = node_fts.reshape(b * n_nodes, dim)
    scal = jnp.stack([temp, fixed_lerp])

    insert = pl.kernel(
        _insert_body,
        out_type=jax.ShapeDtypeStruct((SIZE, DIM), jnp.float32),
        mesh=plsc.VectorSubcoreMesh(core_axis_name="c", subcore_axis_name="s"),
        scratch_types=[pltpu.VMEM((SLAB, DIM), jnp.float32)],
    )
    new_data = insert(data, nodes)

    out = pl.pallas_call(
        _body,
        grid=(GRID,),
        in_specs=[
            pl.BlockSpec(memory_space=pltpu.SMEM),
            pl.BlockSpec((NN, DIM), lambda i: (0, 0)),
            pl.BlockSpec((CHUNK, DIM), lambda i: (i, 0)),
        ],
        out_specs=pl.BlockSpec((NN, DIM), lambda i: (0, 0)),
        out_shape=jax.ShapeDtypeStruct((NN, DIM), jnp.float32),
        scratch_shapes=[
            pltpu.VMEM((NN, DIM), jnp.float32),
            pltpu.VMEM((NN, 1), jnp.float32),
        ],
    )(scal, nodes, data)

    new_counter = ((counter + b * n_nodes) % SIZE).astype(jnp.int32)
    return out.reshape(b, n_nodes, dim), new_data, new_counter

# --- scband reference (transcript-rebuilt; emitter-appended) ---
"""Pipeline reference for scband-per-node-memory-84275848282474 (READ-ONLY COPY).

The authoritative reference and input builder live on the scoring server;
editing this copy changes nothing except your own understanding.
"""

import jax, jax.numpy as jnp
import numpy as np

SIZE = 16384
DIM = 128
B = 4
N = 64


def setup_inputs(seed: int = 0) -> dict:
    key = jax.random.key(seed)
    k1, k2 = jax.random.split(key)
    node_fts = jax.random.normal(k1, (B, N, DIM), dtype=jnp.float32)
    data = jax.random.normal(k2, (SIZE, DIM), dtype=jnp.float32)
    # learned parameters (haiku params materialized at their init values)
    temp = jnp.ones((), dtype=jnp.float32)  # get_strength 'exponential' temp, init ones
    fixed_lerp = jnp.asarray(-1.0986122886681098, dtype=jnp.float32)  # get_lerp_factor 'fixed'
    counter = jnp.zeros((), dtype=jnp.int32)  # hk state 'counter'
    return {"node_fts": node_fts, "data": data, "temp": temp, "fixed_lerp": fixed_lerp, "counter": counter}


def _transform_one(node_ft, data, temp, fixed_lerp):
    # faithful port of PerNodeMemory._transform_feature
    ds = jnp.linalg.norm(data - node_ft, axis=1)
    s = jnp.exp(temp * -ds)  # get_strength mode='exponential'
    w = jax.nn.softmax(s)
    data_closest = data
    data_goal = jnp.sum(w[:, None] * data_closest, axis=0)
    lerp_factor = jax.nn.sigmoid(fixed_lerp)  # get_lerp_factor mode='fixed'
    return lerp_factor * data_goal + (1 - lerp_factor) * node_ft


def reference(node_fts, data, temp, fixed_lerp, counter):
    # transform_features: hk.vmap(hk.vmap(_transform_feature)) over [B, N, dim]
    tf = jax.vmap(jax.vmap(_transform_one, in_axes=(0, None, None, None)),
                  in_axes=(0, None, None, None))
    out = tf(node_fts, data, temp, fixed_lerp)
    # insert: scatter-overwrite node features into the ring-buffer memory
    b, n_nodes, d = node_fts.shape
    n = b * n_nodes
    indices = (jnp.arange(n) + counter) % data.shape[0]
    new_data = data.at[indices].set(node_fts.reshape((n, d)))
    new_counter = (counter + n) % data.shape[0]
    return out, new_data, new_counter

if __name__ == "__main__":
    import jax
    _d = setup_inputs()
    print(jax.jit(kernel)(*tuple(_d.values())))

</pallas_src>

<mosaic_0001>
#map = affine_map<(d0, d1) -> (0, 0)>
module attributes {stable_mosaic.version = 14 : i64} {
  func.func @_insert_body(%arg0: i32, %arg1: i32, %arg2: memref<16384x128xf32, #tpu.memory_space<hbm>>, %arg3: memref<256x128xf32, #tpu.memory_space<hbm>>, %arg4: memref<16384x128xf32, #tpu.memory_space<hbm>>, %arg5: memref<512x128xf32, #tpu.memory_space<vmem>>) attributes {dimension_semantics = [#tpu.dimension_semantics<core_parallel>, #tpu.dimension_semantics<subcore_parallel>], iteration_bounds = array<i64: 2, 16>, scalar_prefetch = 0 : i64, scratch_operands = 1 : i64, tpu.core_type = #tpu.core_type<sc_vector_subcore>, window_params = [{transform_indices = #map}, {transform_indices = #map}, {transform_indices = #map}]} {
    %mul3A = arith.constant 2 : i32
    %mul3A_0 = arith.muli %arg1, %mul3A : i32
    %add3A = arith.addi %mul3A_0, %arg0 : i32
    %mul3A_1 = arith.constant 512 : i32
    %mul3A_2 = arith.muli %add3A, %mul3A_1 : i32
    "tpu.region"() ({
      %run_scoped3A = tpu.sem_alloc : memref<!tpu.dma_semaphore, #tpu.memory_space<semaphore_mem>>
      %dma_start3A = arith.constant 0 : i32
      %dma_start3A_5 = tpu.memref_slice %arg2[%mul3A_2, %dma_start3A] : memref<16384x128xf32, #tpu.memory_space<hbm>> -> memref<512x128xf32, #tpu.memory_space<hbm>>
      %dma_start3A_6 = arith.constant 0 : i32
      %dma_start3A_7 = tpu.memref_slice %arg2[%mul3A_2, %dma_start3A_6] : memref<16384x128xf32, #tpu.memory_space<hbm>> -> memref<512x128xf32, #tpu.memory_space<hbm>>
      tpu.enqueue_dma source(%dma_start3A_7 : memref<512x128xf32, #tpu.memory_space<hbm>>) target(%arg5 : memref<512x128xf32, #tpu.memory_space<vmem>>) target_semaphore(%run_scoped3A : memref<!tpu.dma_semaphore, #tpu.memory_space<semaphore_mem>>)
      %dma_wait3A = arith.constant 0 : i32
      %dma_wait3A_8 = tpu.memref_slice %arg2[%mul3A_2, %dma_wait3A] : memref<16384x128xf32, #tpu.memory_space<hbm>> -> memref<512x128xf32, #tpu.memory_space<hbm>>
      %dma_wait3A_9 = arith.constant 0 : i32
      %dma_wait3A_10 = tpu.memref_slice %arg2[%mul3A_2, %dma_wait3A_9] : memref<16384x128xf32, #tpu.memory_space<hbm>> -> memref<512x128xf32, #tpu.memory_space<hbm>>
      tpu.wait_dma2 semaphore(%run_scoped3A : memref<!tpu.dma_semaphore, #tpu.memory_space<semaphore_mem>>) src(%dma_wait3A_10 : memref<512x128xf32, #tpu.memory_space<hbm>>) dst(%arg5 : memref<512x128xf32, #tpu.memory_space<vmem>>)
      tpu.yield
    }) : () -> ()
    %eq3A = arith.constant 0 : i32
    %eq3A_3 = arith.cmpi eq, %add3A, %eq3A : i32
    %convert_element_type3A = arith.extui %eq3A_3 : i1 to i32
    %cond3A = arith.constant 0 : i32
    %cond3A_4 = arith.cmpi ne, %convert_element_type3A, %cond3A : i32
    scf.if %cond3A_4 {
      "tpu.region"() ({
        %run_scoped3A = tpu.sem_alloc : memref<!tpu.dma_semaphore, #tpu.memory_space<semaphore_mem>>
        %dma_start3A = arith.constant 0 : i32
        %dma_start3A_5 = arith.constant 0 : i32
        %dma_start3A_6 = tpu.memref_slice %arg5[%dma_start3A, %dma_start3A_5] : memref<512x128xf32, #tpu.memory_space<vmem>> -> memref<256x128xf32, #tpu.memory_space<vmem>>
        %dma_start3A_7 = arith.constant 0 : i32
        %dma_start3A_8 = arith.constant 0 : i32
        %dma_start3A_9 = tpu.memref_slice %arg5[%dma_start3A_7, %dma_start3A_8] : memref<512x128xf32, #tpu.memory_space<vmem>> -> memref<256x128xf32, #tpu.memory_space<vmem>>
        tpu.enqueue_dma source(%arg3 : memref<256x128xf32, #tpu.memory_space<hbm>>) target(%dma_start3A_9 : memref<256x128xf32, #tpu.memory_space<vmem>>) target_semaphore(%run_scoped3A : memref<!tpu.dma_semaphore, #tpu.memory_space<semaphore_mem>>)
        %dma_wait3A = arith.constant 0 : i32
        %dma_wait3A_10 = arith.constant 0 : i32
        %dma_wait3A_11 = tpu.memref_slice %arg5[%dma_wait3A, %dma_wait3A_10] : memref<512x128xf32, #tpu.memory_space<vmem>> -> memref<256x128xf32, #tpu.memory_space<vmem>>
        %dma_wait3A_12 = arith.constant 0 : i32
        %dma_wait3A_13 = arith.constant 0 : i32
        %dma_wait3A_14 = tpu.memref_slice %arg5[%dma_wait3A_12, %dma_wait3A_13] : memref<512x128xf32, #tpu.memory_space<vmem>> -> memref<256x128xf32, #tpu.memory_space<vmem>>
        tpu.wait_dma2 semaphore(%run_scoped3A : memref<!tpu.dma_semaphore, #tpu.memory_space<semaphore_mem>>) src(%arg3 : memref<256x128xf32, #tpu.memory_space<hbm>>) dst(%dma_wait3A_14 : memref<256x128xf32, #tpu.memory_space<vmem>>)
        tpu.yield
      }) : () -> ()
    } else {
    }
    "tpu.region"() ({
      %run_scoped3A = tpu.sem_alloc : memref<!tpu.dma_semaphore, #tpu.memory_space<semaphore_mem>>
      %dma_start3A = arith.constant 0 : i32
      %dma_start3A_5 = tpu.memref_slice %arg4[%mul3A_2, %dma_start3A] : memref<16384x128xf32, #tpu.memory_space<hbm>> -> memref<512x128xf32, #tpu.memory_space<hbm>>
      %dma_start3A_6 = arith.constant 0 : i32
      %dma_start3A_7 = tpu.memref_slice %arg4[%mul3A_2, %dma_start3A_6] : memref<16384x128xf32, #tpu.memory_space<hbm>> -> memref<512x128xf32, #tpu.memory_space<hbm>>
      tpu.enqueue_dma source(%arg5 : memref<512x128xf32, #tpu.memory_space<vmem>>) target(%dma_start3A_7 : memref<512x128xf32, #tpu.memory_space<hbm>>) target_semaphore(%run_scoped3A : memref<!tpu.dma_semaphore, #tpu.memory_space<semaphore_mem>>)
      %dma_wait3A = arith.constant 0 : i32
      %dma_wait3A_8 = tpu.memref_slice %arg4[%mul3A_2, %dma_wait3A] : memref<16384x128xf32, #tpu.memory_space<hbm>> -> memref<512x128xf32, #tpu.memory_space<hbm>>
      %dma_wait3A_9 = arith.constant 0 : i32
      %dma_wait3A_10 = tpu.memref_slice %arg4[%mul3A_2, %dma_wait3A_9] : memref<16384x128xf32, #tpu.memory_space<hbm>> -> memref<512x128xf32, #tpu.memory_space<hbm>>
      tpu.wait_dma2 semaphore(%run_scoped3A : memref<!tpu.dma_semaphore, #tpu.memory_space<semaphore_mem>>) src(%arg5 : memref<512x128xf32, #tpu.memory_space<vmem>>) dst(%dma_wait3A_10 : memref<512x128xf32, #tpu.memory_space<hbm>>)
      tpu.yield
    }) : () -> ()
    return
  }
}

module attributes {stable_mosaic.version = 14 : i64} {
  func.func @_body(%arg0: i32, %arg1: memref<2xf32, #tpu.memory_space<smem>>, %arg2: memref<256x128xf32, #tpu.memory_space<vmem>>, %arg3: memref<2048x128xf32, #tpu.memory_space<vmem>>, %arg4: memref<256x128xf32, #tpu.memory_space<vmem>>, %arg5: memref<256x128xf32, #tpu.memory_space<vmem>>, %arg6: memref<256x1xf32, #tpu.memory_space<vmem>>) attributes {dimension_semantics = [#tpu.dimension_semantics<arbitrary>], iteration_bounds = array<i64: 8>, scalar_prefetch = 0 : i64, scratch_operands = 2 : i64, tpu.core_type = #tpu.core_type<tc>, window_params = [{transform_indices = @transform_0, window_bounds = array<i64: 2>}, {pipeline_mode = #tpu.pipeline_mode<synchronous>, transform_indices = @transform_1, window_bounds = array<i64: 256, 128>}, {transform_indices = @transform_2, window_bounds = array<i64: 2048, 128>}, {pipeline_mode = #tpu.pipeline_mode<synchronous>, transform_indices = @transform_3, window_bounds = array<i64: 256, 128>}]} {
    %get3A = arith.constant 0 : index
    %get3A_0 = arith.constant 0 : index
    %get3A_1 = vector.load %arg3[%get3A, %get3A_0] : memref<2048x128xf32, #tpu.memory_space<vmem>>, vector<2048x128xf32>
    %get3A_2 = arith.constant 0 : index
    %get3A_3 = arith.constant 0 : index
    %get3A_4 = vector.load %arg2[%get3A_2, %get3A_3] : memref<256x128xf32, #tpu.memory_space<vmem>>, vector<256x128xf32>
    %get3A_5 = arith.constant 0 : index
    %get3A_6 = memref.load %arg1[%get3A_5] : memref<2xf32, #tpu.memory_space<smem>>
    %get3A_7 = arith.constant 1 : index
    %get3A_8 = memref.load %arg1[%get3A_7] : memref<2xf32, #tpu.memory_space<smem>>
    %neg3A = arith.constant 0.000000e+00 : f32
    %neg3A_9 = arith.subf %neg3A, %get3A_8 : f32
    %exp3A = math.exp %neg3A_9 : f32
    %add3A = arith.constant 1.000000e+00 : f32
    %add3A_10 = arith.addf %add3A, %exp3A : f32
    %div3A = arith.constant 1.000000e+00 : f32
    %div3A_11 = arith.divf %div3A, %add3A_10 : f32
    %mul3A = arith.constant -1.44269502 : f32
    %mul3A_12 = arith.mulf %get3A_6, %mul3A : f32
    %mul3A_13 = arith.constant -2.000000e+00 : f32
    %mul3A_14 = vector.broadcast %mul3A_13 : f32 to vector<256x128xf32>
    %mul3A_15 = arith.mulf %get3A_4, %mul3A_14 : vector<256x128xf32>
    %dot_general3A = arith.constant dense<0.000000e+00> : vector<2048x256xf32>
    %dot_general3A_16 = tpu.matmul %get3A_1, %mul3A_15, %dot_general3A {dimension_numbers = #tpu.dot_dimension_numbers<[1], [1], [0], [0], [0, 0, 1, 0], [], []>, transpose_lhs_hint = false} : vector<2048x128xf32>, vector<256x128xf32>, vector<2048x256xf32> -> vector<2048x256xf32>
    %mul3A_17 = arith.mulf %get3A_1, %get3A_1 : vector<2048x128xf32>
    %reduce_sum3A = arith.constant dense<0.000000e+00> : vector<2048xf32>
    %reduce_sum3A_18 = vector.multi_reduction <add>, %mul3A_17, %reduce_sum3A [1] : vector<2048x128xf32> to vector<2048xf32>
    %broadcast_in_dim3A = vector.shape_cast %reduce_sum3A_18 : vector<2048xf32> to vector<2048x1xf32>
    %mul3A_19 = arith.mulf %get3A_4, %get3A_4 : vector<256x128xf32>
    %reduce_sum3A_20 = arith.constant dense<0.000000e+00> : vector<256xf32>
    %reduce_sum3A_21 = vector.multi_reduction <add>, %mul3A_19, %reduce_sum3A_20 [1] : vector<256x128xf32> to vector<256xf32>
    %broadcast_in_dim3A_22 = vector.shape_cast %reduce_sum3A_21 : vector<256xf32> to vector<1x256xf32>
    %add3A_23 = vector.broadcast %broadcast_in_dim3A : vector<2048x1xf32> to vector<2048x256xf32>
    %add3A_24 = arith.addf %dot_general3A_16, %add3A_23 : vector<2048x256xf32>
    %add3A_25 = vector.broadcast %broadcast_in_dim3A_22 : vector<1x256xf32> to vector<2048x256xf32>
    %add3A_26 = arith.addf %add3A_24, %add3A_25 : vector<2048x256xf32>
    %max3A = arith.constant 9.99999996E-13 : f32
    %max3A_27 = vector.broadcast %max3A : f32 to vector<2048x256xf32>
    %max3A_28 = arith.maximumf %add3A_26, %max3A_27 : vector<2048x256xf32>
    %mul3A_29 = vector.broadcast %mul3A_12 : f32 to vector<2048x256xf32>
    %mul3A_30 = arith.mulf %mul3A_29, %max3A_28 : vector<2048x256xf32>
    %rsqrt3A = math.rsqrt %max3A_28 : vector<2048x256xf32>
    %mul3A_31 = arith.mulf %mul3A_30, %rsqrt3A : vector<2048x256xf32>
    %exp23A = math.exp2 %mul3A_31 : vector<2048x256xf32>
    %mul3A_32 = arith.constant 1.44269502 : f32
    %mul3A_33 = vector.broadcast %mul3A_32 : f32 to vector<2048x256xf32>
    %mul3A_34 = arith.mulf %exp23A, %mul3A_33 : vector<2048x256xf32>
    %exp23A_35 = math.exp2 %mul3A_34 : vector<2048x256xf32>
    %dot_general3A_36 = arith.constant dense<0.000000e+00> : vector<256x128xf32>
    %dot_general3A_37 = tpu.matmul %exp23A_35, %get3A_1, %dot_general3A_36 {dimension_numbers = #tpu.dot_dimension_numbers<[0], [0], [1], [1], [0, 1, 1, 1], [], []>, transpose_lhs_hint = false} : vector<2048x256xf32>, vector<2048x128xf32>, vector<256x128xf32> -> vector<256x128xf32>
    %broadcast_in_dim3A_38 = arith.constant 1.000000e+00 : f32
    %broadcast_in_dim3A_39 = vector.broadcast %broadcast_in_dim3A_38 : f32 to vector<2048x1xf32>
    %dot_general3A_40 = arith.constant dense<0.000000e+00> : vector<256x1xf32>
    %dot_general3A_41 = tpu.matmul %exp23A_35, %broadcast_in_dim3A_39, %dot_general3A_40 {dimension_numbers = #tpu.dot_dimension_numbers<[0], [0], [1], [1], [0, 1, 1, 1], [], []>, transpose_lhs_hint = false} : vector<2048x256xf32>, vector<2048x1xf32>, vector<256x1xf32> -> vector<256x1xf32>
    %eq3A = arith.constant 0 : i32
    %eq3A_42 = arith.cmpi eq, %arg0, %eq3A : i32
    %convert_element_type3A = arith.extui %eq3A_42 : i1 to i32
    %cond3A = arith.constant 0 : i32
    %cond3A_43 = arith.cmpi ne, %convert_element_type3A, %cond3A : i32
    scf.if %cond3A_43 {
      %swap3A = arith.constant 0 : index
      %swap3A_53 = arith.constant 0 : index
      %swap3A_54 = vector.load %arg5[%swap3A, %swap3A_53] : memref<256x128xf32, #tpu.memory_space<vmem>>, vector<256x128xf32>
      tpu.vector_store %arg5[%swap3A, %swap3A_53], %dot_general3A_37 {strides = array<i32>} : memref<256x128xf32, #tpu.memory_space<vmem>>, vector<256x128xf32>,
      %swap3A_55 = arith.constant 0 : index
      %swap3A_56 = arith.constant 0 : index
      %swap3A_57 = vector.load %arg6[%swap3A_55, %swap3A_56] : memref<256x1xf32, #tpu.memory_space<vmem>>, vector<256x1xf32>
      tpu.vector_store %arg6[%swap3A_55, %swap3A_56], %dot_general3A_41 {strides = array<i32>} : memref<256x1xf32, #tpu.memory_space<vmem>>, vector<256x1xf32>,
    } else {
    }
    %gt3A = arith.constant 0 : i32
    %gt3A_44 = arith.cmpi sgt, %arg0, %gt3A : i32
    %convert_element_type3A_45 = arith.extui %gt3A_44 : i1 to i32
    %cond3A_46 = arith.constant 0 : i32
    %cond3A_47 = arith.cmpi ne, %convert_element_type3A_45, %cond3A_46 : i32
    scf.if %cond3A_47 {
      %get3A_53 = arith.constant 0 : index
      %get3A_54 = arith.constant 0 : index
      %get3A_55 = vector.load %arg5[%get3A_53, %get3A_54] : memref<256x128xf32, #tpu.memory_space<vmem>>, vector<256x128xf32>
      %add3A_56 = arith.addf %get3A_55, %dot_general3A_37 : vector<256x128xf32>
      %swap3A = arith.constant 0 : index
      %swap3A_57 = arith.constant 0 : index
      %swap3A_58 = vector.load %arg5[%swap3A, %swap3A_57] : memref<256x128xf32, #tpu.memory_space<vmem>>, vector<256x128xf32>
      tpu.vector_store %arg5[%swap3A, %swap3A_57], %add3A_56 {strides = array<i32>} : memref<256x128xf32, #tpu.memory_space<vmem>>, vector<256x128xf32>,
      %get3A_59 = arith.constant 0 : index
      %get3A_60 = arith.constant 0 : index
      %get3A_61 = vector.load %arg6[%get3A_59, %get3A_60] : memref<256x1xf32, #tpu.memory_space<vmem>>, vector<256x1xf32>
      %add3A_62 = arith.addf %get3A_61, %dot_general3A_41 : vector<256x1xf32>
      %swap3A_63 = arith.constant 0 : index
      %swap3A_64 = arith.constant 0 : index
      %swap3A_65 = vector.load %arg6[%swap3A_63, %swap3A_64] : memref<256x1xf32, #tpu.memory_space<vmem>>, vector<256x1xf32>
      tpu.vector_store %arg6[%swap3A_63, %swap3A_64], %add3A_62 {strides = array<i32>} : memref<256x1xf32, #tpu.memory_space<vmem>>, vector<256x1xf32>,
    } else {
    }
    %eq3A_48 = arith.constant 7 : i32
    %eq3A_49 = arith.cmpi eq, %arg0, %eq3A_48 : i32
    %convert_element_type3A_50 = arith.extui %eq3A_49 : i1 to i32
    %cond3A_51 = arith.constant 0 : i32
    %cond3A_52 = arith.cmpi ne, %convert_element_type3A_50, %cond3A_51 : i32
    scf.if %cond3A_52 {
      %get3A_53 = arith.constant 0 : index
      %get3A_54 = arith.constant 0 : index
      %get3A_55 = vector.load %arg5[%get3A_53, %get3A_54] : memref<256x128xf32, #tpu.memory_space<vmem>>, vector<256x128xf32>
      %mul3A_56 = vector.broadcast %div3A_11 : f32 to vector<256x128xf32>
      %mul3A_57 = arith.mulf %mul3A_56, %get3A_55 : vector<256x128xf32>
      %get3A_58 = arith.constant 0 : index
      %get3A_59 = arith.constant 0 : index
      %get3A_60 = vector.load %arg6[%get3A_58, %get3A_59] : memref<256x1xf32, #tpu.memory_space<vmem>>, vector<256x1xf32>
      %div3A_61 = vector.broadcast %get3A_60 : vector<256x1xf32> to vector<256x128xf32>
      %div3A_62 = arith.divf %mul3A_57, %div3A_61 : vector<256x128xf32>
      %sub3A = arith.constant 1.000000e+00 : f32
      %sub3A_63 = arith.subf %sub3A, %div3A_11 : f32
      %mul3A_64 = vector.broadcast %sub3A_63 : f32 to vector<256x128xf32>
      %mul3A_65 = arith.mulf %mul3A_64, %get3A_4 : vector<256x128xf32>
      %add3A_66 = arith.addf %div3A_62, %mul3A_65 : vector<256x128xf32>
      %swap3A = arith.constant 0 : index
      %swap3A_67 = arith.constant 0 : index
      %swap3A_68 = vector.load %arg4[%swap3A, %swap3A_67] : memref<256x128xf32, #tpu.memory_space<vmem>>, vector<256x128xf32>
      tpu.vector_store %arg4[%swap3A, %swap3A_67], %add3A_66 {strides = array<i32>} : memref<256x128xf32, #tpu.memory_space<vmem>>, vector<256x128xf32>,
    } else {
    }
    return
  }
  func.func @transform_0(%arg0: i32) -> i32 {
    %c0_i32 = arith.constant 0 : i32
    %c0_i32_0 = arith.constant 0 : i32
    return %c0_i32 : i32
  }
  func.func @transform_1(%arg0: i32) -> (i32, i32) {
    %c0_i32 = arith.constant 0 : i32
    %c0_i32_0 = arith.constant 0 : i32
    %c0_i32_1 = arith.constant 0 : i32
    return %c0_i32, %c0_i32_0 : i32, i32
  }
  func.func @transform_2(%arg0: i32) -> (i32, i32) {
    %c0_i32 = arith.constant 0 : i32
    %c0_i32_0 = arith.constant 0 : i32
    return %arg0, %c0_i32 : i32, i32
  }
  func.func @transform_3(%arg0: i32) -> (i32, i32) {
    %c0_i32 = arith.constant 0 : i32
    %c0_i32_0 = arith.constant 0 : i32
    %c0_i32_1 = arith.constant 0 : i32
    return %c0_i32, %c0_i32_0 : i32, i32
  }
}

</mosaic_0001>

<sc_bundles>
// kernel: kernel.4.cloned.1.call-start
scs
__scs_entry_jumppad:
0x0: {  	(pc) =	sbr.rel $0x88, $3  }
0x1: {  	(tag) =	ssettag $0x0;
	lr =	simm.s32 $0x1  }
0x2: {  	[smem:$0x3F9C] =	sst lr;
	_ =	strace $0xD0000000  }
0x3: {  	_ = 	snop  }
0x4: {  	_ = 	snop  }
0x5: {  	_ = 	snop  }
0x6: {  	_ = 	snop  }
0x7: {  	_ = 	snop  }
__scs_overlays_trampoline_lowered:
0x8: {  	[smem:$0x3FAB] =	sst s0  }
0x9: {  	[smem:$0x3FAC] =	sst s1  }
0xa: {  	[smem:$0x3FAD] =	sst s2  }
0xb: {  	[smem:$0x3FAE] =	sst s3  }
0xc: {  	[smem:$0x3FAF] =	sst s4  }
0xd: {  	[smem:$0x3FB0] =	sst s5  }
0xe: {  	[smem:$0x3FB1] =	sst s6  }
0xf: {  	[smem:$0x3FB2] =	sst s7  }
0x10: {  	[smem:$0x3FB3] =	sst s8  }
0x11: {  	[smem:$0x3FB4] =	sst s9;
	s0 =	simm.s32 @!p0 $0x0  }
0x12: {  	s1 =	sld [smem:$0x3F9A];
	s0 =	simm.s32 @p0 $0x1  }
0x13: {  	[smem:$0x3FB5] =	sst s0;
	s0 =	simm.s32 @!p1 $0x0  }
0x14: {  	s2 =	sld [smem:$0x3F99];
	s0 =	simm.s32 @p1 $0x1  }
0x15: {  	[smem:$0x3FB6] =	sst s0;
	s0 =	simm.s32 @!p2 $0x0  }
0x16: {  	s3 =	sld [smem:$0x3FDB];
	s0 =	simm.s32 @p2 $0x1  }
0x17: {  	s4 =	simm.s32 $0x1BF5;
	[smem:$0x3FB8] =	sst s0  }
0x18: {  	s0 =	sld [smem:$0x3F9B];
	_ =	swait.ge [sflag:s4], $0x0  }
0x19: {  	s7 =	sld [smem:$0x3F9C]  }
0x1a: {  	s8 =	sadd.s32 $0xFFFFE003, lr  }
0x1b: {  	s9 =	sadd.s32 $0xFFFFFEF7, lr;
	s5 =	simm.s32 $0xFFFFFFFF;
	p2 =	slt.u32 s8, $0xFFFFF086  }
0x1c: {  	p1 =	slt.u32 s9, $0xF7A;
	s5 =	simm.s32 @!p2 $0x0  }
0x1d: {  	s5 =	simm.s32 @p1 $0x1;
	p0 =	seq.s32 s7, s2  }
0x1e: {  	s7 =	smul.u32 @!p0 $0xF7A, s2;
	p2 =	seq.s32 @!p0 s5, $0x0  }
0x1f: {  	s9 =	smul.u32 $0xF7A, s1;
	s8 =	simm.s32 @!p0 $0x1BF5;
	p2 =	por !p2, p0  }
0x20: {  	[sflag:s8] =	ssyncset.s32 @!p0 $0xFFFFF086;
	s6 =	sadd.s32 @!p0 s3, s7;
	s7 =	simm.s32 @!p0 $0x108  }
0x21: {  	s3 =	sadd.s32 s3, s9;
	s6 =	sadd.s32 @!p0 $0x88, s6;
	s7 =	simm.s32 @p2 $0x1082  }
0x22: {  	[simem:s7], [sflag:s8] =	dma.local @!p0 [hbm:s6], $0xF7A  }
0x23: {  	s9 =	sor.u32 $0xD0000000, s2;
	s6 =	simm.s32 $0x108;
	_ =	swait.ge @!p0 [sflag:s8], $0x0  }
0x24: {  	s3 =	sadd.s32 $0x88, s3;
	s6 =	simm.s32 @!p1 $0x1082;
	[sflag:s4] =	ssyncset.s32 $0xFFFFF086  }
0x25: {  	[simem:s6], [sflag:s4] =	dma.local [hbm:s3], $0xF7A  }
0x26: {  	[smem:$0x3F9C] =	sst s1;
	(tag) =	ssettag s2;
	_ =	strace s9  }
0x27: {  	s1 =	sld [smem:$0x3FAC]  }
0x28: {  	s2 =	sld [smem:$0x3FAD]  }
0x29: {  	s4 =	sld [smem:$0x3FAF]  }
0x2a: {  	p0 =	seq.s32 s5, $0x0;
	s5 =	sld [smem:$0x3FB0]  }
0x2b: {  	s6 =	sld [smem:$0x3FB1]  }
0x2c: {  	s7 =	sld [smem:$0x3FB2]  }
0x2d: {  	s3 =	simm.s32 $0x108;
	s8 =	sld [smem:$0x3FB3]  }
0x2e: {  	s3 =	simm.s32 @!p0 $0x1082;
	s9 =	sld [smem:$0x3FB4]  }
0x2f: {  	lr =	sadd.s32 s0, s3;
	s0 =	sld [smem:$0x3FAB]  }
0x30: {  	s3 =	sld [smem:$0x3FAE]  }
0x31: {  	[smem:$0x3FB7] =	sst s10  }
0x32: {  	s10 =	sld [smem:$0x3FB5];
	_ =	sdelay $0x3  }
0x33: {  	p0 =	seq.s32 s10, $0x1;
	s10 =	sld [smem:$0x3FB7];
	_ =	sdelay $0x3  }
0x34: {  	[smem:$0x3FB7] =	sst s10  }
0x35: {  	s10 =	sld [smem:$0x3FB6];
	_ =	sdelay $0x3  }
0x36: {  	p1 =	seq.s32 s10, $0x1;
	s10 =	sld [smem:$0x3FB7];
	_ =	sdelay $0x3  }
0x37: {  	[smem:$0x3FB7] =	sst s10  }
0x38: {  	s10 =	sld [smem:$0x3FB8]  }
0x39: {  	_ = 	snop;
	(pc) =	sbr.ind lr, $3  }
0x3a: {  	_ = 	snop  }
0x3b: {  	_ = 	snop  }
0x3c: {  	p2 =	seq.s32 s10, $0x1;
	s10 =	sld [smem:$0x3FB7]  }
0x3d: {  	_ =	shalt  }
0x3e: {  	_ =	shalt  }
0x3f: {  	_ =	shalt  }
0x40: {  	_ =	shalt  }
0x41: {  	_ =	shalt  }
0x42: {  	_ =	shalt  }
0x43: {  	_ =	shalt  }
0x44: {  	_ =	shalt  }
0x45: {  	_ =	shalt  }
0x46: {  	_ =	shalt  }
0x47: {  	_ =	shalt  }
0x48: {  	_ =	shalt  }
0x49: {  	_ =	shalt  }
0x4a: {  	_ =	shalt  }
0x4b: {  	_ =	shalt  }
0x4c: {  	_ =	shalt  }
0x4d: {  	_ =	shalt  }
0x4e: {  	_ =	shalt  }
0x4f: {  	_ =	shalt  }
0x50: {  	_ =	shalt  }
0x51: {  	_ =	shalt  }
0x52: {  	_ =	shalt  }
0x53: {  	_ =	shalt  }
0x54: {  	_ =	shalt  }
0x55: {  	_ =	shalt  }
0x56: {  	_ =	shalt  }
0x57: {  	_ =	shalt  }
0x58: {  	_ =	shalt  }
0x59: {  	_ =	shalt  }
0x5a: {  	_ =	shalt  }
0x5b: {  	_ =	shalt  }
0x5c: {  	_ =	shalt  }
0x5d: {  	_ =	shalt  }
0x5e: {  	_ =	shalt  }
0x5f: {  	_ =	shalt  }
0x60: {  	_ =	shalt  }
0x61: {  	_ =	shalt  }
0x62: {  	_ =	shalt  }
0x63: {  	_ =	shalt  }
0x64: {  	_ =	shalt  }
0x65: {  	_ =	shalt  }
0x66: {  	_ =	shalt  }
0x67: {  	_ =	shalt  }
0x68: {  	_ =	shalt  }
0x69: {  	_ =	shalt  }
0x6a: {  	_ =	shalt  }
0x6b: {  	_ =	shalt  }
0x6c: {  	_ =	shalt  }
0x6d: {  	_ =	shalt  }
0x6e: {  	_ =	shalt  }
0x6f: {  	_ =	shalt  }
0x70: {  	_ =	shalt  }
0x71: {  	_ =	shalt  }
0x72: {  	_ =	shalt  }
0x73: {  	_ =	shalt  }
0x74: {  	_ =	shalt  }
0x75: {  	_ =	shalt  }
0x76: {  	_ =	shalt  }
0x77: {  	_ =	shalt  }
0x78: {  	_ =	shalt  }
0x79: {  	_ =	shalt  }
0x7a: {  	_ =	shalt  }
0x7b: {  	_ =	shalt  }
0x7c: {  	_ =	shalt  }
0x7d: {  	_ =	shalt  }
0x7e: {  	_ =	shalt  }
0x7f: {  	_ =	shalt  }
0x80: {  	_ =	shalt  }
0x81: {  	_ =	shalt  }
0x82: {  	_ =	shalt  }
0x83: {  	_ =	shalt  }
0x84: {  	_ =	shalt  }
0x85: {  	_ =	shalt  }
0x86: {  	_ =	shalt  }
0x87: {  	_ =	shalt  }
.Lfunc_end0:
.L_simem_size_0:
called_computation_lowered:
.L_overlay_start_0:
0x88: {  	s2 =	sld [smem:$0x3FD9]  }
0x89: {  	s3 =	sld [smem:$0x3FFE];
	_ =	sdelay $0x1  }
0x8a: {  	s1 =	srdreg.scid  }
0x8b: {  	s0 =	sand.u32 $0x1, s1  }
0x8c: {  	s15 =	sshll.u32 s0, $0xA;
	s2 =	sadd.s32 s3, s2  }
0x8d: {  	s2 =	sadd.s32 s2, s15  }
0x8e: {  	[smem:$0x3FC3] =	sst s2  }
0x8f: {  	_ = 	snop  }
0x90: {  	s2 =	sld [smem:$0x3FD0];
	_ =	sdelay $0x1  }
0x91: {  	s16 =	sld [smem:$0x3FC9]  }
0x92: {  	s5 =	simm.s32 $0xA;
	s6 =	simm.s32 $0x10;
	s4 =	sld [smem:$0x3FC8]  }
0x93: {  	[smem:s6], [sflag:s5] =	dma.local [hbm:s2], $0x1  }
0x94: {  	_ =	swait.eq [sflag:s5], $0x1  }
0x95: {  	[sflag:s5] =	ssyncset.done $0x0  }
0x96: {  	[sflag:s5] =	ssyncadd.s32 $0xFFFFFFFF  }
0x97: {  	s17 =	sld [smem:$0x11];
	(tm) =	ssettm $0x1  }
0x98: {  	s18 =	sld [smem:$0x3FFB];
	_ =	sdelay $0x3  }
0x99: {  	_ =	strace s18  }
0x9a: {  	s5 =	sld [smem:$0x3FFC];
	_ =	sdelay $0x3  }
0x9b: {  	_ =	strace s5  }
0x9c: {  	s5 =	sld [smem:$0x3FFD];
	_ =	sdelay $0x3  }
0x9d: {  	_ =	strace s5  }
0x9e: {  	_ =	strace $0x8FFFFFFF  }
0x9f: {  	s19 =	sld [smem:$0x3FDB];
	_ =	sdelay $0x1  }
0xa0: {  	s20 =	simm.s32 $_scs_section_size  }
0xa1: {  	s7 =	simm.s32 $_size__tile_overlayer_lowered;
	s8 =	simm.s32 $_tile_overlayer_lowered  }
0xa2: {  	s23 =	simm.s32 $0x1BFF;
	s22 =	sshll.u32 s8, $0x1;
	s5 =	sadd.s32 s20, s19  }
0xa3: {  	s9 =	simm.s32 $0x0;
	s21 =	sshll.u32 s7, $0x1;
	s7 =	sadd.s32 s22, s5  }
0xa4: {  	[timem:s9], [sflag:s23] =	dma.local [hbm:s7], s21  }
0xa5: {  	_ =	swait.ge [sflag:s23], s21  }
0xa6: {  	s6 =	ssub.s32 $0x0, s21;
	[sflag:s23] =	ssyncset.done $0x0  }
0xa7: {  	[sflag:s23] =	ssyncadd.s32 s6;
	_ =	sdelay $0x1  }
0xa8: {  	s24 =	simm.s32 $0x1B8B  }
0xa9: {  	_ =	swait.ge [sflag:s24], $0x1  }
0xaa: {  	[sflag:s24] =	ssyncset.done $0x0  }
0xab: {  	s25 =	simm.s32 $0x1B8E;
	[sflag:s24] =	ssyncadd.s32 $0xFFFFFFFF  }
0xac: {  	s26 =	simm.s32 $execute0_lowered;
	[smem:$0x3FD2] =	sst s25  }
0xad: {  	s6 =	sshll.u32 s26, $0x1;
	_ =	strace $0x80000046;
	[dreg:$0x1] =	wrdreg $0xFFFFFFFF  }
0xae: {  	s28 =	simm.s32 $_size_execute0_lowered;
	s5 =	sadd.s32 s5, s6;
	[dreg:$0x0] =	wrdreg $0x0  }
0xaf: {  	s6 =	sshll.u32 s28, $0x1;
	[dreg:$0x2] =	wrdreg s5  }
0xb0: {  	[dreg:$0x3] =	wrdreg s6  }
0xb1: {  	[dreg:$0x4] =	wrdreg $0xC0  }
0xb2: {  	_ =	task [dreg:s9], $0x5FFFF  }
0xb3: {  	[dreg:$0x1] =	wrdreg $0xFFFFFFFF  }
0xb4: {  	[dreg:$0x0] =	wrdreg $0x60  }
0xb5: {  	[dreg:$0x2] =	wrdreg s4  }
0xb6: {  	[dreg:$0x3] =	wrdreg s16  }
0xb7: {  	[dreg:$0x4] =	wrdreg s17  }
0xb8: {  	[dreg:$0x5] =	wrdreg $0x9  }
0xb9: {  	_ =	task.clear_ibuf [dreg:s9], $0x6FFFF;
	_ =	strace $0x90000046  }
0xba: {  	s29 =	simm.s32 $0x9;
	_ =	strace $0x80000048  }
0xbb: {  	_ =	swait.ge [sflag:s29], $0x1  }
0xbc: {  	[sflag:s29] =	ssyncadd.s32 $0xFFFFFFFF  }
0xbd: {  	_ =	strace $0x90000048  }
0xbe: {  	_ =	sfence  }
0xbf: {  	s30 =	sld [smem:$0x0];
	_ =	sdelay $0x2  }
0xc0: {  	s31 =	sshll.u32 s1, $0xD;
	s1 =	sshrl.u32 s1, $0x2  }
0xc1: {  	s3 =	sand.u32 $0x4000, s31;
	s1 =	sadd.s32 s1, s30  }
0xc2: {  	s0 =	sor.u32 s3, s0;
	s1 =	sshll.u32 s1, $0x11  }
0xc3: {  	s0 =	sor.u32 s1, s0  }
0xc4: {  	s0 =	sadd.s32 $0x8F2B, s0  }
0xc5: {  	[sflag:s0] =	ssyncadd.remote.s32 $0x1  }
0xc6: {  	_ =	sfence.sel $0xFFFF  }
0xc7: {  	[dreg:$0x0] =	wrdreg $0xFFFFFFFF;
	(pc) =	sbr.abs _section_cstart, $3  }
0xc8: {  	[dreg:$0x1] =	wrdreg $0xFFFFFFFF  }
0xc9: {  	_ =	task.clear_ibuf [dreg:s9], $0x2FFFF;
	_ =	strace $0x9FFFFFFF  }
0xca: {  	(tm) =	ssettm $0x7FFFFFFF  }
0xcb: {  	_ =	shalt  }
tec
execute0_lowered:
.L_overlay_start_1:
0x0: {  	(tag) =	ssettag $0x1  }
0x1: {  	s4 =	rddreg [dreg:$0x0]  }
0x2: {  	s2 =	rddreg [dreg:$0x1];
	s1 =	srdreg.scid  }
0x3: {  	s0 =	stileid.u32;
	s8 =	rddreg [dreg:$0x2];
	s3 =	simm.s32 $0x0  }
0x4: {  	s6 =	sand.u32 $0x1, s1;
	s5 =	sshll.u32 s0, $0x1;
	s1 =	rddreg [dreg:$0x3]  }
0x5: {  	[smem:$0x7FF] =	sst s3;
	s7 =	sor.u32 s6, s5;
	s10 =	ssub.s32 $0x2, s6  }
0x6: {  	_ =	strace $0x80000047;
	s9 =	sshll.u32 s7, $0xD;
	s11 =	sshrl.u32 s10, $0x1  }
0x7: {  	p0 =	sne.s32 s7, $0x0;
	s5 =	sadd.s32 s4, s9;
	s4 =	simm.s32 $0x1  }
0x8: {  	[tilespmem:s3], [sflag:$0x1] =	stream.linear.gather [hbm4b:s5+s3], $0x10000, $0x38;
	[tilespmem:$0x10000] =	vst v63  }
0x9: {  	s6 =	simm.s32 @!p0 $0x0;
	s10 =	ssub.s32 s10, s11;
	_ =	swait.ge [sflag:s4], $0x10000  }
0xa: {  	s7 =	simm.s32 @!p0 $0x1;
	s10 =	smax.u32 s10, $0x1;
	[sflag:s4] =	ssyncset.done $0x0  }
0xb: {  	s8 =	sadd.s32 s8, s9;
	s9 =	sadd.s32 $0xFFFFFFFF, s10;
	[sflag:s4] =	ssyncadd.s32 $0xFFFF0000  }
0xc: {  	[tilespmem:s6], [sflag:$0x1] =	stream.linear.gather @!p0 [hbm4b:s2+s6], $0x8000, $0x38;
	[tilespmem:$0x10000] =	vst v63  }
0xd: {  	p1 =	sne.s32 s9, $0x0;
	_ =	swait.ge @!p0 [sflag:s7], $0x8000  }
.Ltmp0:
0xe: {  	[sflag:s7] =	ssyncset.done @!p0 $0x0;
	(pc) =	sbr.rel @!p1 .LBB2_2-.Ltmp0, $4  }
0xf: {  	[sflag:s7] =	ssyncadd.s32 @!p0 $0xFFFF8000  }
0x10: {  	[hbm4b:s8+s3] =	stream.linear.scatter [tilespmem:s3], [sflag:$0x1], $0x10000, $0x38;
	[tilespmem:$0x10000] =	vst v63  }
0x11: {  	_ =	swait.ge [sflag:s4], $0x10000  }
0x12: {  	[sflag:s4] =	ssyncset.done $0x0  }
.LBB2_1:
0x13: {  	s9 =	sadd.s32 $0xFFFFFFFF, s9;
	[sflag:s4] =	ssyncadd.s32 $0xFFFF0000  }
0x14: {  	[tilespmem:s3], [sflag:$0x1] =	stream.linear.gather [hbm4b:s5+s3], $0x10000, $0x38;
	[tilespmem:$0x10000] =	vst v63  }
0x15: {  	p1 =	sne.s32 s9, $0x0;
	_ =	swait.ge [sflag:s4], $0x10000  }
0x16: {  	[sflag:s4] =	ssyncset.done $0x0  }
0x17: {  	[sflag:s4] =	ssyncadd.s32 $0xFFFF0000  }
0x18: {  	[tilespmem:s6], [sflag:$0x1] =	stream.linear.gather @!p0 [hbm4b:s2+s6], $0x8000, $0x38;
	[tilespmem:$0x10000] =	vst v63  }
0x19: {  	_ =	swait.ge @!p0 [sflag:s7], $0x8000  }
.Ltmp1:
0x1a: {  	[sflag:s7] =	ssyncset.done @!p0 $0x0;
	(pc) =	sbr.rel @p1 .LBB2_1-.Ltmp1, $4  }
0x1b: {  	[sflag:s7] =	ssyncadd.s32 @!p0 $0xFFFF8000  }
0x1c: {  	[hbm4b:s8+s3] =	stream.linear.scatter [tilespmem:s3], [sflag:$0x1], $0x10000, $0x38;
	[tilespmem:$0x10000] =	vst v63  }
0x1d: {  	_ =	swait.ge [sflag:s4], $0x10000  }
0x1e: {  	[sflag:s4] =	ssyncset.done $0x0  }
.LBB2_2:
0x1f: {  	[sflag:s4] =	ssyncadd.s32 $0xFFFF0000  }
0x20: {  	_ =	sfence.sel $0x180000  }
0x21: {  	[bflag:$0x0] =	sbarrier.arrive $0xFFFF  }
0x22: {  	p0 =	sne.s32 s0, $0x0;
	_ =	strace $0x90000047  }
0x23: {  	s0 =	sadd.s32 @!p0 $0x100000, s1;
	[bflag:$0x2] =	sbarrier.arrive $0xFFFF  }
0x24: {  	[sflag:s0] =	ssyncadd.tile.s32 @!p0 $0x1;
	_ =	shalt  }
.Lfunc_end2:
_tile_overlayer_lowered:
.L_overlay_start_2:
0x25: {  	(tag) =	ssettag $0x2  }
0x26: {  	s0 =	rddreg [dreg:$0x0];
	s2 =	stileid.u32  }
0x27: {  	s1 =	rddreg [dreg:$0x1];
	p0 =	sne.s32 s2, $0x0  }
0x28: {  	s3 =	rddreg [dreg:$0x2];
	[bflag:$0x3] =	sbarrier.arrive $0xFFFF;
	s2 =	simm.s32 @!p0 $0x1C01  }
0x29: {  	[timem:s3], [sflag:s2] =	dma.local @!p0 [hbm:s0], s1  }
0x2a: {  	s0 =	simm.s32 @!p0 $0x1  }
0x2b: {  	_ =	swait.ge @!p0 [sflag:s0], s1  }
0x2c: {  	s1 =	ssub.s32 @!p0 $0x0, s1;
	[sflag:s0] =	ssyncset.done @!p0 $0x0  }
0x2d: {  	[sflag:s0] =	ssyncadd.s32 @!p0 s1  }
0x2e: {  	[bflag:$0x3] =	sbarrier.arrive $0xFFFF  }
0x2f: {  	_ =	shalt  }

</sc_bundles>
